<compile_context>
chip_gen: v7x
topology: tpu7x:2x2x1
jax: 0.10.2.dev20260603
libtpu: 0.0.44.dev20260713+nightly
codegen_flags: <defaults>
</compile_context>

<pallas_src>
import jax
import jax.numpy as jnp
from jax import lax
from jax.experimental import pallas as pl
from jax.experimental.pallas import tpu as pltpu

S_CHUNK = 256
F_BLK = 4096


def _cumsum_kernel(x_ref, o_ref, carry_ref):
    s = pl.program_id(2)

    @pl.when(s == 0)
    def _init():
        carry_ref[...] = jnp.zeros_like(carry_ref)

    ch = x_ref.shape[1]
    row = lax.broadcasted_iota(jnp.int32, (ch, ch), 0)
    col = lax.broadcasted_iota(jnp.int32, (ch, ch), 1)
    tril = (row >= col).astype(jnp.bfloat16)
    local = jnp.dot(tril, x_ref[0].astype(jnp.bfloat16),
                    preferred_element_type=jnp.float32)
    out = local + carry_ref[...]
    o_ref[0] = out
    carry_ref[...] = out[-1:, :]


def _cumsum_pallas(x):
    B, S, F = x.shape
    grid = (B, F // F_BLK, S // S_CHUNK)
    return pl.pallas_call(
        _cumsum_kernel,
        grid=grid,
        in_specs=[pl.BlockSpec((1, S_CHUNK, F_BLK), lambda b, f, s: (b, s, f))],
        out_specs=pl.BlockSpec((1, S_CHUNK, F_BLK), lambda b, f, s: (b, s, f)),
        out_shape=jax.ShapeDtypeStruct(x.shape, x.dtype),
        scratch_shapes=[pltpu.VMEM((1, F_BLK), x.dtype)],
        compiler_params=pltpu.CompilerParams(
            dimension_semantics=("parallel", "parallel", "arbitrary"),
        ),
    )(x)


import functools
from jax.experimental.pallas import tpu_sc as plsc

_NC, _NS, _L = 2, 16, 16


_CH_ROWS = 256
_CW = 128
_G = _CW // _L


def _sc_cumsum(x):
    B, S, F = x.shape
    rows = B * S
    x2d = x.reshape(rows, F)
    mesh = plsc.VectorSubcoreMesh(core_axis_name="c", subcore_axis_name="s")
    n_chunks = rows // _CH_ROWS
    chunks_per_batch = S // _CH_ROWS
    n_outer = n_chunks // 2

    @functools.partial(
        pl.kernel, mesh=mesh,
        out_type=jax.ShapeDtypeStruct((rows, F), jnp.float32),
        scratch_types=[
            pltpu.VMEM((_CH_ROWS, _CW), jnp.float32),
            pltpu.VMEM((_CH_ROWS, _CW), jnp.float32),
            pltpu.SemaphoreType.DMA,
            pltpu.SemaphoreType.DMA,
        ],
    )
    def k(x_hbm, o_hbm, buf0, buf1, so0, so1):
        wid = lax.axis_index("s") * _NC + lax.axis_index("c")
        c0 = wid * _CW
        bufs = (buf0, buf1)
        souts = (so0, so1)

        def src(j):
            return x_hbm.at[pl.ds(j * _CH_ROWS, _CH_ROWS), pl.ds(c0, _CW)]

        def dst(j):
            return o_hbm.at[pl.ds(j * _CH_ROWS, _CH_ROWS), pl.ds(c0, _CW)]

        def compute(buf, carry):
            def row(r, carry):
                new = []
                for g in range(_G):
                    acc = carry[g] + buf[r, pl.ds(g * _L, _L)]
                    buf[r, pl.ds(g * _L, _L)] = acc
                    new.append(acc)
                return tuple(new)

            return lax.fori_loop(0, _CH_ROWS, row, carry)

        def outer(j2, carry):
            for b in range(2):
                j = j2 * 2 + b

                @pl.when(j2 > 0)
                def _drain():
                    pltpu.make_async_copy(bufs[b], dst(j - 2), souts[b]).wait()

                pltpu.sync_copy(src(j), bufs[b])
                keep = jnp.where((j % chunks_per_batch) == 0, 0.0, 1.0)
                carry = tuple(c * keep for c in carry)
                carry = compute(bufs[b], carry)
                pltpu.async_copy(bufs[b], dst(j), souts[b])
            return carry

        zeros = tuple(jnp.zeros((_L,), jnp.float32) for _ in range(_G))
        lax.fori_loop(0, n_outer, outer, zeros)
        pltpu.make_async_copy(buf0, dst(n_chunks - 2), so0).wait()
        pltpu.make_async_copy(buf1, dst(n_chunks - 1), so1).wait()

    return k(x2d).reshape(B, S, F)


def kernel(x):
    return _sc_cumsum(x)

# --- scband reference (transcript-rebuilt; emitter-appended) ---
"""Pipeline reference for scband-model-new-73315091744131 (READ-ONLY COPY).

The authoritative reference and input builder live on the scoring server;
editing this copy changes nothing except your own understanding.
"""

import jax, jax.numpy as jnp
import numpy as np

def setup_inputs(seed: int = 0) -> dict:
    key = jax.random.key(seed)
    x = jax.random.normal(key, (2, 4096, 4096), dtype=jnp.float32)
    return {"x": x}

def reference(x):
    # Faithful translation of the module: cumulative sum along dim=1
    return jnp.cumsum(x, axis=1)

if __name__ == "__main__":
    import jax
    _d = setup_inputs()
    print(jax.jit(kernel)(*tuple(_d.values())))

</pallas_src>

<mosaic_0001>
#map = affine_map<(d0, d1) -> (0, 0)>
module attributes {stable_mosaic.version = 14 : i64} {
  func.func @k(%arg0: i32, %arg1: i32, %arg2: memref<8192x4096xf32, #tpu.memory_space<hbm>>, %arg3: memref<8192x4096xf32, #tpu.memory_space<hbm>>, %arg4: memref<256x128xf32, #tpu.memory_space<vmem>>, %arg5: memref<256x128xf32, #tpu.memory_space<vmem>>, %arg6: memref<!tpu.dma_semaphore, #tpu.memory_space<semaphore_mem>>, %arg7: memref<!tpu.dma_semaphore, #tpu.memory_space<semaphore_mem>>) attributes {dimension_semantics = [#tpu.dimension_semantics<core_parallel>, #tpu.dimension_semantics<subcore_parallel>], iteration_bounds = array<i64: 2, 16>, scalar_prefetch = 0 : i64, scratch_operands = 4 : i64, tpu.core_type = #tpu.core_type<sc_vector_subcore>, window_params = [{transform_indices = #map}, {transform_indices = #map}]} {
    %mul3A = arith.constant 2 : i32
    %mul3A_0 = arith.muli %arg1, %mul3A : i32
    %add3A = arith.addi %mul3A_0, %arg0 : i32
    %mul3A_1 = arith.constant 128 : i32
    %mul3A_2 = arith.muli %add3A, %mul3A_1 : i32
    %broadcast_in_dim3A = arith.constant 0.000000e+00 : f32
    %broadcast_in_dim3A_3 = vector.broadcast %broadcast_in_dim3A : f32 to vector<16xf32>
    %broadcast_in_dim3A_4 = arith.constant 0.000000e+00 : f32
    %broadcast_in_dim3A_5 = vector.broadcast %broadcast_in_dim3A_4 : f32 to vector<16xf32>
    %broadcast_in_dim3A_6 = arith.constant 0.000000e+00 : f32
    %broadcast_in_dim3A_7 = vector.broadcast %broadcast_in_dim3A_6 : f32 to vector<16xf32>
    %broadcast_in_dim3A_8 = arith.constant 0.000000e+00 : f32
    %broadcast_in_dim3A_9 = vector.broadcast %broadcast_in_dim3A_8 : f32 to vector<16xf32>
    %broadcast_in_dim3A_10 = arith.constant 0.000000e+00 : f32
    %broadcast_in_dim3A_11 = vector.broadcast %broadcast_in_dim3A_10 : f32 to vector<16xf32>
    %broadcast_in_dim3A_12 = arith.constant 0.000000e+00 : f32
    %broadcast_in_dim3A_13 = vector.broadcast %broadcast_in_dim3A_12 : f32 to vector<16xf32>
    %broadcast_in_dim3A_14 = arith.constant 0.000000e+00 : f32
    %broadcast_in_dim3A_15 = vector.broadcast %broadcast_in_dim3A_14 : f32 to vector<16xf32>
    %broadcast_in_dim3A_16 = arith.constant 0.000000e+00 : f32
    %broadcast_in_dim3A_17 = vector.broadcast %broadcast_in_dim3A_16 : f32 to vector<16xf32>
    %scan3A = arith.constant 0 : i32
    %scan3A_18 = arith.constant 16 : i32
    %scan3A_19 = arith.addi %scan3A, %scan3A_18 : i32
    %scan3A_20 = arith.constant 1 : i32
    %scan3A_21:8 = scf.for %scan3A_30 = %scan3A to %scan3A_19 step %scan3A_20 iter_args(%scan3A_31 = %broadcast_in_dim3A_3, %scan3A_32 = %broadcast_in_dim3A_5, %scan3A_33 = %broadcast_in_dim3A_7, %scan3A_34 = %broadcast_in_dim3A_9, %scan3A_35 = %broadcast_in_dim3A_11, %scan3A_36 = %broadcast_in_dim3A_13, %scan3A_37 = %broadcast_in_dim3A_15, %scan3A_38 = %broadcast_in_dim3A_17) -> (vector<16xf32>, vector<16xf32>, vector<16xf32>, vector<16xf32>, vector<16xf32>, vector<16xf32>, vector<16xf32>, vector<16xf32>)  : i32 {
      %mul3A_39 = arith.constant 2 : i32
      %mul3A_40 = arith.muli %scan3A_30, %mul3A_39 : i32
      %add3A_41 = arith.constant 0 : i32
      %add3A_42 = arith.addi %mul3A_40, %add3A_41 : i32
      %gt3A = arith.constant 0 : i32
      %gt3A_43 = arith.cmpi sgt, %scan3A_30, %gt3A : i32
      %convert_element_type3A = arith.extui %gt3A_43 : i1 to i32
      %cond3A = arith.constant 0 : i32
      %cond3A_44 = arith.cmpi ne, %convert_element_type3A, %cond3A : i32
      scf.if %cond3A_44 {
        %sub3A = arith.constant 2 : i32
        %sub3A_144 = arith.subi %add3A_42, %sub3A : i32
        %mul3A_145 = arith.constant 256 : i32
        %mul3A_146 = arith.muli %sub3A_144, %mul3A_145 : i32
        %dma_wait3A_147 = tpu.memref_slice %arg3[%mul3A_146, %mul3A_2] : memref<8192x4096xf32, #tpu.memory_space<hbm>> -> memref<256x128xf32, #tpu.memory_space<hbm>>
        %dma_wait3A_148 = tpu.memref_slice %arg3[%mul3A_146, %mul3A_2] : memref<8192x4096xf32, #tpu.memory_space<hbm>> -> memref<256x128xf32, #tpu.memory_space<hbm>>
        tpu.wait_dma2 semaphore(%arg6 : memref<!tpu.dma_semaphore, #tpu.memory_space<semaphore_mem>>) src(%arg4 : memref<256x128xf32, #tpu.memory_space<vmem>>) dst(%dma_wait3A_148 : memref<256x128xf32, #tpu.memory_space<hbm>>)
      } else {
      }
      %mul3A_45 = arith.constant 256 : i32
      %mul3A_46 = arith.muli %add3A_42, %mul3A_45 : i32
      "tpu.region"() ({
        %run_scoped3A = tpu.sem_alloc : memref<!tpu.dma_semaphore, #tpu.memory_space<semaphore_mem>>
        %dma_start3A_144 = tpu.memref_slice %arg2[%mul3A_46, %mul3A_2] : memref<8192x4096xf32, #tpu.memory_space<hbm>> -> memref<256x128xf32, #tpu.memory_space<hbm>>
        %dma_start3A_145 = tpu.memref_slice %arg2[%mul3A_46, %mul3A_2] : memref<8192x4096xf32, #tpu.memory_space<hbm>> -> memref<256x128xf32, #tpu.memory_space<hbm>>
        tpu.enqueue_dma source(%dma_start3A_145 : memref<256x128xf32, #tpu.memory_space<hbm>>) target(%arg4 : memref<256x128xf32, #tpu.memory_space<vmem>>) target_semaphore(%run_scoped3A : memref<!tpu.dma_semaphore, #tpu.memory_space<semaphore_mem>>)
        %dma_wait3A_146 = tpu.memref_slice %arg2[%mul3A_46, %mul3A_2] : memref<8192x4096xf32, #tpu.memory_space<hbm>> -> memref<256x128xf32, #tpu.memory_space<hbm>>
        %dma_wait3A_147 = tpu.memref_slice %arg2[%mul3A_46, %mul3A_2] : memref<8192x4096xf32, #tpu.memory_space<hbm>> -> memref<256x128xf32, #tpu.memory_space<hbm>>
        tpu.wait_dma2 semaphore(%run_scoped3A : memref<!tpu.dma_semaphore, #tpu.memory_space<semaphore_mem>>) src(%dma_wait3A_147 : memref<256x128xf32, #tpu.memory_space<hbm>>) dst(%arg4 : memref<256x128xf32, #tpu.memory_space<vmem>>)
        tpu.yield
      }) : () -> ()
      %jit3A = arith.constant 16 : i32
      %eq3A = arith.constant 0 : i32
      %eq3A_47 = arith.cmpi eq, %jit3A, %eq3A : i32
      %jit3A_48 = arith.constant 1 : i32
      %select_n3A = arith.select %eq3A_47, %jit3A_48, %jit3A : i32
      %rem3A = arith.remsi %add3A_42, %select_n3A : i32
      %ne3A = arith.constant 0 : i32
      %ne3A_49 = arith.cmpi ne, %rem3A, %ne3A : i32
      %lt3A = arith.constant 0 : i32
      %lt3A_50 = arith.cmpi slt, %rem3A, %lt3A : i32
      %lt3A_51 = arith.constant 0 : i32
      %lt3A_52 = arith.cmpi slt, %select_n3A, %lt3A_51 : i32
      %ne3A_53 = arith.xori %lt3A_50, %lt3A_52 : i1
      %and3A = arith.andi %ne3A_53, %ne3A_49 : i1
      %add3A_54 = arith.addi %rem3A, %select_n3A : i32
      %select_n3A_55 = arith.select %and3A, %add3A_54, %rem3A : i32
      %eq3A_56 = arith.constant 0 : i32
      %eq3A_57 = arith.cmpi eq, %select_n3A_55, %eq3A_56 : i32
      %jit3A_58 = arith.constant 0.000000e+00 : f32
      %jit3A_59 = arith.constant 1.000000e+00 : f32
      %select_n3A_60 = arith.select %eq3A_57, %jit3A_58, %jit3A_59 : f32
      %mul3A_61 = vector.broadcast %select_n3A_60 : f32 to vector<16xf32>
      %mul3A_62 = arith.mulf %scan3A_31, %mul3A_61 : vector<16xf32>
      %mul3A_63 = vector.broadcast %select_n3A_60 : f32 to vector<16xf32>
      %mul3A_64 = arith.mulf %scan3A_32, %mul3A_63 : vector<16xf32>
      %mul3A_65 = vector.broadcast %select_n3A_60 : f32 to vector<16xf32>
      %mul3A_66 = arith.mulf %scan3A_33, %mul3A_65 : vector<16xf32>
      %mul3A_67 = vector.broadcast %select_n3A_60 : f32 to vector<16xf32>
      %mul3A_68 = arith.mulf %scan3A_34, %mul3A_67 : vector<16xf32>
      %mul3A_69 = vector.broadcast %select_n3A_60 : f32 to vector<16xf32>
      %mul3A_70 = arith.mulf %scan3A_35, %mul3A_69 : vector<16xf32>
      %mul3A_71 = vector.broadcast %select_n3A_60 : f32 to vector<16xf32>
      %mul3A_72 = arith.mulf %scan3A_36, %mul3A_71 : vector<16xf32>
      %mul3A_73 = vector.broadcast %select_n3A_60 : f32 to vector<16xf32>
      %mul3A_74 = arith.mulf %scan3A_37, %mul3A_73 : vector<16xf32>
      %mul3A_75 = vector.broadcast %select_n3A_60 : f32 to vector<16xf32>
      %mul3A_76 = arith.mulf %scan3A_38, %mul3A_75 : vector<16xf32>
      %scan3A_77 = arith.constant 0 : i32
      %scan3A_78 = arith.constant 256 : i32
      %scan3A_79 = arith.addi %scan3A_77, %scan3A_78 : i32
      %scan3A_80 = arith.constant 1 : i32
      %scan3A_81:8 = scf.for %scan3A_144 = %scan3A_77 to %scan3A_79 step %scan3A_80 iter_args(%scan3A_145 = %mul3A_62, %scan3A_146 = %mul3A_64, %scan3A_147 = %mul3A_66, %scan3A_148 = %mul3A_68, %scan3A_149 = %mul3A_70, %scan3A_150 = %mul3A_72, %scan3A_151 = %mul3A_74, %scan3A_152 = %mul3A_76) -> (vector<16xf32>, vector<16xf32>, vector<16xf32>, vector<16xf32>, vector<16xf32>, vector<16xf32>, vector<16xf32>, vector<16xf32>)  : i32 {
        %get3A = arith.index_cast %scan3A_144 : i32 to index
        %get3A_153 = arith.constant 0 : index
        %get3A_154 = tpu.vector_load %arg4[%get3A, %get3A_153] {strides = array<i32>} : memref<256x128xf32, #tpu.memory_space<vmem>>, vector<1x16xf32>,
        %get3A_155 = vector.shape_cast %get3A_154 : vector<1x16xf32> to vector<16xf32>
        %add3A_156 = arith.addf %scan3A_145, %get3A_155 : vector<16xf32>
        %swap3A = arith.index_cast %scan3A_144 : i32 to index
        %swap3A_157 = arith.constant 0 : index
        %swap3A_158 = tpu.vector_load %arg4[%swap3A, %swap3A_157] {strides = array<i32>} : memref<256x128xf32, #tpu.memory_space<vmem>>, vector<1x16xf32>,
        %swap3A_159 = vector.shape_cast %swap3A_158 : vector<1x16xf32> to vector<16xf32>
        %swap3A_160 = vector.shape_cast %add3A_156 : vector<16xf32> to vector<1x16xf32>
        tpu.vector_store %arg4[%swap3A, %swap3A_157], %swap3A_160 {strides = array<i32>} : memref<256x128xf32, #tpu.memory_space<vmem>>, vector<1x16xf32>,
        %get3A_161 = arith.index_cast %scan3A_144 : i32 to index
        %get3A_162 = arith.constant 16 : index
        %get3A_163 = tpu.vector_load %arg4[%get3A_161, %get3A_162] {strides = array<i32>} : memref<256x128xf32, #tpu.memory_space<vmem>>, vector<1x16xf32>,
        %get3A_164 = vector.shape_cast %get3A_163 : vector<1x16xf32> to vector<16xf32>
        %add3A_165 = arith.addf %scan3A_146, %get3A_164 : vector<16xf32>
        %swap3A_166 = arith.index_cast %scan3A_144 : i32 to index
        %swap3A_167 = arith.constant 16 : index
        %swap3A_168 = tpu.vector_load %arg4[%swap3A_166, %swap3A_167] {strides = array<i32>} : memref<256x128xf32, #tpu.memory_space<vmem>>, vector<1x16xf32>,
        %swap3A_169 = vector.shape_cast %swap3A_168 : vector<1x16xf32> to vector<16xf32>
        %swap3A_170 = vector.shape_cast %add3A_165 : vector<16xf32> to vector<1x16xf32>
        tpu.vector_store %arg4[%swap3A_166, %swap3A_167], %swap3A_170 {strides = array<i32>} : memref<256x128xf32, #tpu.memory_space<vmem>>, vector<1x16xf32>,
        %get3A_171 = arith.index_cast %scan3A_144 : i32 to index
        %get3A_172 = arith.constant 32 : index
        %get3A_173 = tpu.vector_load %arg4[%get3A_171, %get3A_172] {strides = array<i32>} : memref<256x128xf32, #tpu.memory_space<vmem>>, vector<1x16xf32>,
        %get3A_174 = vector.shape_cast %get3A_173 : vector<1x16xf32> to vector<16xf32>
        %add3A_175 = arith.addf %scan3A_147, %get3A_174 : vector<16xf32>
        %swap3A_176 = arith.index_cast %scan3A_144 : i32 to index
        %swap3A_177 = arith.constant 32 : index
        %swap3A_178 = tpu.vector_load %arg4[%swap3A_176, %swap3A_177] {strides = array<i32>} : memref<256x128xf32, #tpu.memory_space<vmem>>, vector<1x16xf32>,
        %swap3A_179 = vector.shape_cast %swap3A_178 : vector<1x16xf32> to vector<16xf32>
        %swap3A_180 = vector.shape_cast %add3A_175 : vector<16xf32> to vector<1x16xf32>
        tpu.vector_store %arg4[%swap3A_176, %swap3A_177], %swap3A_180 {strides = array<i32>} : memref<256x128xf32, #tpu.memory_space<vmem>>, vector<1x16xf32>,
        %get3A_181 = arith.index_cast %scan3A_144 : i32 to index
        %get3A_182 = arith.constant 48 : index
        %get3A_183 = tpu.vector_load %arg4[%get3A_181, %get3A_182] {strides = array<i32>} : memref<256x128xf32, #tpu.memory_space<vmem>>, vector<1x16xf32>,
        %get3A_184 = vector.shape_cast %get3A_183 : vector<1x16xf32> to vector<16xf32>
        %add3A_185 = arith.addf %scan3A_148, %get3A_184 : vector<16xf32>
        %swap3A_186 = arith.index_cast %scan3A_144 : i32 to index
        %swap3A_187 = arith.constant 48 : index
        %swap3A_188 = tpu.vector_load %arg4[%swap3A_186, %swap3A_187] {strides = array<i32>} : memref<256x128xf32, #tpu.memory_space<vmem>>, vector<1x16xf32>,
        %swap3A_189 = vector.shape_cast %swap3A_188 : vector<1x16xf32> to vector<16xf32>
        %swap3A_190 = vector.shape_cast %add3A_185 : vector<16xf32> to vector<1x16xf32>
        tpu.vector_store %arg4[%swap3A_186, %swap3A_187], %swap3A_190 {strides = array<i32>} : memref<256x128xf32, #tpu.memory_space<vmem>>, vector<1x16xf32>,
        %get3A_191 = arith.index_cast %scan3A_144 : i32 to index
        %get3A_192 = arith.constant 64 : index
        %get3A_193 = tpu.vector_load %arg4[%get3A_191, %get3A_192] {strides = array<i32>} : memref<256x128xf32, #tpu.memory_space<vmem>>, vector<1x16xf32>,
        %get3A_194 = vector.shape_cast %get3A_193 : vector<1x16xf32> to vector<16xf32>
        %add3A_195 = arith.addf %scan3A_149, %get3A_194 : vector<16xf32>
        %swap3A_196 = arith.index_cast %scan3A_144 : i32 to index
        %swap3A_197 = arith.constant 64 : index
        %swap3A_198 = tpu.vector_load %arg4[%swap3A_196, %swap3A_197] {strides = array<i32>} : memref<256x128xf32, #tpu.memory_space<vmem>>, vector<1x16xf32>,
        %swap3A_199 = vector.shape_cast %swap3A_198 : vector<1x16xf32> to vector<16xf32>
        %swap3A_200 = vector.shape_cast %add3A_195 : vector<16xf32> to vector<1x16xf32>
        tpu.vector_store %arg4[%swap3A_196, %swap3A_197], %swap3A_200 {strides = array<i32>} : memref<256x128xf32, #tpu.memory_space<vmem>>, vector<1x16xf32>,
        %get3A_201 = arith.index_cast %scan3A_144 : i32 to index
        %get3A_202 = arith.constant 80 : index
        %get3A_203 = tpu.vector_load %arg4[%get3A_201, %get3A_202] {strides = array<i32>} : memref<256x128xf32, #tpu.memory_space<vmem>>, vector<1x16xf32>,
        %get3A_204 = vector.shape_cast %get3A_203 : vector<1x16xf32> to vector<16xf32>
        %add3A_205 = arith.addf %scan3A_150, %get3A_204 : vector<16xf32>
        %swap3A_206 = arith.index_cast %scan3A_144 : i32 to index
        %swap3A_207 = arith.constant 80 : index
        %swap3A_208 = tpu.vector_load %arg4[%swap3A_206, %swap3A_207] {strides = array<i32>} : memref<256x128xf32, #tpu.memory_space<vmem>>, vector<1x16xf32>,
        %swap3A_209 = vector.shape_cast %swap3A_208 : vector<1x16xf32> to vector<16xf32>
        %swap3A_210 = vector.shape_cast %add3A_205 : vector<16xf32> to vector<1x16xf32>
        tpu.vector_store %arg4[%swap3A_206, %swap3A_207], %swap3A_210 {strides = array<i32>} : memref<256x128xf32, #tpu.memory_space<vmem>>, vector<1x16xf32>,
        %get3A_211 = arith.index_cast %scan3A_144 : i32 to index
        %get3A_212 = arith.constant 96 : index
        %get3A_213 = tpu.vector_load %arg4[%get3A_211, %get3A_212] {strides = array<i32>} : memref<256x128xf32, #tpu.memory_space<vmem>>, vector<1x16xf32>,
        %get3A_214 = vector.shape_cast %get3A_213 : vector<1x16xf32> to vector<16xf32>
        %add3A_215 = arith.addf %scan3A_151, %get3A_214 : vector<16xf32>
        %swap3A_216 = arith.index_cast %scan3A_144 : i32 to index
        %swap3A_217 = arith.constant 96 : index
        %swap3A_218 = tpu.vector_load %arg4[%swap3A_216, %swap3A_217] {strides = array<i32>} : memref<256x128xf32, #tpu.memory_space<vmem>>, vector<1x16xf32>,
        %swap3A_219 = vector.shape_cast %swap3A_218 : vector<1x16xf32> to vector<16xf32>
        %swap3A_220 = vector.shape_cast %add3A_215 : vector<16xf32> to vector<1x16xf32>
        tpu.vector_store %arg4[%swap3A_216, %swap3A_217], %swap3A_220 {strides = array<i32>} : memref<256x128xf32, #tpu.memory_space<vmem>>, vector<1x16xf32>,
        %get3A_221 = arith.index_cast %scan3A_144 : i32 to index
        %get3A_222 = arith.constant 112 : index
        %get3A_223 = tpu.vector_load %arg4[%get3A_221, %get3A_222] {strides = array<i32>} : memref<256x128xf32, #tpu.memory_space<vmem>>, vector<1x16xf32>,
        %get3A_224 = vector.shape_cast %get3A_223 : vector<1x16xf32> to vector<16xf32>
        %add3A_225 = arith.addf %scan3A_152, %get3A_224 : vector<16xf32>
        %swap3A_226 = arith.index_cast %scan3A_144 : i32 to index
        %swap3A_227 = arith.constant 112 : index
        %swap3A_228 = tpu.vector_load %arg4[%swap3A_226, %swap3A_227] {strides = array<i32>} : memref<256x128xf32, #tpu.memory_space<vmem>>, vector<1x16xf32>,
        %swap3A_229 = vector.shape_cast %swap3A_228 : vector<1x16xf32> to vector<16xf32>
        %swap3A_230 = vector.shape_cast %add3A_225 : vector<16xf32> to vector<1x16xf32>
        tpu.vector_store %arg4[%swap3A_226, %swap3A_227], %swap3A_230 {strides = array<i32>} : memref<256x128xf32, #tpu.memory_space<vmem>>, vector<1x16xf32>,
        scf.yield %add3A_156, %add3A_165, %add3A_175, %add3A_185, %add3A_195, %add3A_205, %add3A_215, %add3A_225 : vector<16xf32>, vector<16xf32>, vector<16xf32>, vector<16xf32>, vector<16xf32>, vector<16xf32>, vector<16xf32>, vector<16xf32>
      }
      %scan3A_82 = arith.constant 256 : i32
      %mul3A_83 = arith.constant 256 : i32
      %mul3A_84 = arith.muli %add3A_42, %mul3A_83 : i32
      %dma_start3A = tpu.memref_slice %arg3[%mul3A_84, %mul3A_2] : memref<8192x4096xf32, #tpu.memory_space<hbm>> -> memref<256x128xf32, #tpu.memory_space<hbm>>
      %dma_start3A_85 = tpu.memref_slice %arg3[%mul3A_84, %mul3A_2] : memref<8192x4096xf32, #tpu.memory_space<hbm>> -> memref<256x128xf32, #tpu.memory_space<hbm>>
      tpu.enqueue_dma source(%arg4 : memref<256x128xf32, #tpu.memory_space<vmem>>) target(%dma_start3A_85 : memref<256x128xf32, #tpu.memory_space<hbm>>) target_semaphore(%arg6 : memref<!tpu.dma_semaphore, #tpu.memory_space<semaphore_mem>>)
      %mul3A_86 = arith.constant 2 : i32
      %mul3A_87 = arith.muli %scan3A_30, %mul3A_86 : i32
      %add3A_88 = arith.constant 1 : i32
      %add3A_89 = arith.addi %mul3A_87, %add3A_88 : i32
      %gt3A_90 = arith.constant 0 : i32
      %gt3A_91 = arith.cmpi sgt, %scan3A_30, %gt3A_90 : i32
      %convert_element_type3A_92 = arith.extui %gt3A_91 : i1 to i32
      %cond3A_93 = arith.constant 0 : i32
      %cond3A_94 = arith.cmpi ne, %convert_element_type3A_92, %cond3A_93 : i32
      scf.if %cond3A_94 {
        %sub3A = arith.constant 2 : i32
        %sub3A_144 = arith.subi %add3A_89, %sub3A : i32
        %mul3A_145 = arith.constant 256 : i32
        %mul3A_146 = arith.muli %sub3A_144, %mul3A_145 : i32
        %dma_wait3A_147 = tpu.memref_slice %arg3[%mul3A_146, %mul3A_2] : memref<8192x4096xf32, #tpu.memory_space<hbm>> -> memref<256x128xf32, #tpu.memory_space<hbm>>
        %dma_wait3A_148 = tpu.memref_slice %arg3[%mul3A_146, %mul3A_2] : memref<8192x4096xf32, #tpu.memory_space<hbm>> -> memref<256x128xf32, #tpu.memory_space<hbm>>
        tpu.wait_dma2 semaphore(%arg7 : memref<!tpu.dma_semaphore, #tpu.memory_space<semaphore_mem>>) src(%arg5 : memref<256x128xf32, #tpu.memory_space<vmem>>) dst(%dma_wait3A_148 : memref<256x128xf32, #tpu.memory_space<hbm>>)
      } else {
      }
      %mul3A_95 = arith.constant 256 : i32
      %mul3A_96 = arith.muli %add3A_89, %mul3A_95 : i32
      "tpu.region"() ({
        %run_scoped3A = tpu.sem_alloc : memref<!tpu.dma_semaphore, #tpu.memory_space<semaphore_mem>>
        %dma_start3A_144 = tpu.memref_slice %arg2[%mul3A_96, %mul3A_2] : memref<8192x4096xf32, #tpu.memory_space<hbm>> -> memref<256x128xf32, #tpu.memory_space<hbm>>
        %dma_start3A_145 = tpu.memref_slice %arg2[%mul3A_96, %mul3A_2] : memref<8192x4096xf32, #tpu.memory_space<hbm>> -> memref<256x128xf32, #tpu.memory_space<hbm>>
        tpu.enqueue_dma source(%dma_start3A_145 : memref<256x128xf32, #tpu.memory_space<hbm>>) target(%arg5 : memref<256x128xf32, #tpu.memory_space<vmem>>) target_semaphore(%run_scoped3A : memref<!tpu.dma_semaphore, #tpu.memory_space<semaphore_mem>>)
        %dma_wait3A_146 = tpu.memref_slice %arg2[%mul3A_96, %mul3A_2] : memref<8192x4096xf32, #tpu.memory_space<hbm>> -> memref<256x128xf32, #tpu.memory_space<hbm>>
        %dma_wait3A_147 = tpu.memref_slice %arg2[%mul3A_96, %mul3A_2] : memref<8192x4096xf32, #tpu.memory_space<hbm>> -> memref<256x128xf32, #tpu.memory_space<hbm>>
        tpu.wait_dma2 semaphore(%run_scoped3A : memref<!tpu.dma_semaphore, #tpu.memory_space<semaphore_mem>>) src(%dma_wait3A_147 : memref<256x128xf32, #tpu.memory_space<hbm>>) dst(%arg5 : memref<256x128xf32, #tpu.memory_space<vmem>>)
        tpu.yield
      }) : () -> ()
      %jit3A_97 = arith.constant 16 : i32
      %eq3A_98 = arith.constant 0 : i32
      %eq3A_99 = arith.cmpi eq, %jit3A_97, %eq3A_98 : i32
      %jit3A_100 = arith.constant 1 : i32
      %select_n3A_101 = arith.select %eq3A_99, %jit3A_100, %jit3A_97 : i32
      %rem3A_102 = arith.remsi %add3A_89, %select_n3A_101 : i32
      %ne3A_103 = arith.constant 0 : i32
      %ne3A_104 = arith.cmpi ne, %rem3A_102, %ne3A_103 : i32
      %lt3A_105 = arith.constant 0 : i32
      %lt3A_106 = arith.cmpi slt, %rem3A_102, %lt3A_105 : i32
      %lt3A_107 = arith.constant 0 : i32
      %lt3A_108 = arith.cmpi slt, %select_n3A_101, %lt3A_107 : i32
      %ne3A_109 = arith.xori %lt3A_106, %lt3A_108 : i1
      %and3A_110 = arith.andi %ne3A_109, %ne3A_104 : i1
      %add3A_111 = arith.addi %rem3A_102, %select_n3A_101 : i32
      %select_n3A_112 = arith.select %and3A_110, %add3A_111, %rem3A_102 : i32
      %eq3A_113 = arith.constant 0 : i32
      %eq3A_114 = arith.cmpi eq, %select_n3A_112, %eq3A_113 : i32
      %jit3A_115 = arith.constant 0.000000e+00 : f32
      %jit3A_116 = arith.constant 1.000000e+00 : f32
      %select_n3A_117 = arith.select %eq3A_114, %jit3A_115, %jit3A_116 : f32
      %mul3A_118 = vector.broadcast %select_n3A_117 : f32 to vector<16xf32>
      %mul3A_119 = arith.mulf %scan3A_81#0, %mul3A_118 : vector<16xf32>
      %mul3A_120 = vector.broadcast %select_n3A_117 : f32 to vector<16xf32>
      %mul3A_121 = arith.mulf %scan3A_81#1, %mul3A_120 : vector<16xf32>
      %mul3A_122 = vector.broadcast %select_n3A_117 : f32 to vector<16xf32>
      %mul3A_123 = arith.mulf %scan3A_81#2, %mul3A_122 : vector<16xf32>
      %mul3A_124 = vector.broadcast %select_n3A_117 : f32 to vector<16xf32>
      %mul3A_125 = arith.mulf %scan3A_81#3, %mul3A_124 : vector<16xf32>
      %mul3A_126 = vector.broadcast %select_n3A_117 : f32 to vector<16xf32>
      %mul3A_127 = arith.mulf %scan3A_81#4, %mul3A_126 : vector<16xf32>
      %mul3A_128 = vector.broadcast %select_n3A_117 : f32 to vector<16xf32>
      %mul3A_129 = arith.mulf %scan3A_81#5, %mul3A_128 : vector<16xf32>
      %mul3A_130 = vector.broadcast %select_n3A_117 : f32 to vector<16xf32>
      %mul3A_131 = arith.mulf %scan3A_81#6, %mul3A_130 : vector<16xf32>
      %mul3A_132 = vector.broadcast %select_n3A_117 : f32 to vector<16xf32>
      %mul3A_133 = arith.mulf %scan3A_81#7, %mul3A_132 : vector<16xf32>
      %scan3A_134 = arith.constant 0 : i32
      %scan3A_135 = arith.constant 256 : i32
      %scan3A_136 = arith.addi %scan3A_134, %scan3A_135 : i32
      %scan3A_137 = arith.constant 1 : i32
      %scan3A_138:8 = scf.for %scan3A_144 = %scan3A_134 to %scan3A_136 step %scan3A_137 iter_args(%scan3A_145 = %mul3A_119, %scan3A_146 = %mul3A_121, %scan3A_147 = %mul3A_123, %scan3A_148 = %mul3A_125, %scan3A_149 = %mul3A_127, %scan3A_150 = %mul3A_129, %scan3A_151 = %mul3A_131, %scan3A_152 = %mul3A_133) -> (vector<16xf32>, vector<16xf32>, vector<16xf32>, vector<16xf32>, vector<16xf32>, vector<16xf32>, vector<16xf32>, vector<16xf32>)  : i32 {
        %get3A = arith.index_cast %scan3A_144 : i32 to index
        %get3A_153 = arith.constant 0 : index
        %get3A_154 = tpu.vector_load %arg5[%get3A, %get3A_153] {strides = array<i32>} : memref<256x128xf32, #tpu.memory_space<vmem>>, vector<1x16xf32>,
        %get3A_155 = vector.shape_cast %get3A_154 : vector<1x16xf32> to vector<16xf32>
        %add3A_156 = arith.addf %scan3A_145, %get3A_155 : vector<16xf32>
        %swap3A = arith.index_cast %scan3A_144 : i32 to index
        %swap3A_157 = arith.constant 0 : index
        %swap3A_158 = tpu.vector_load %arg5[%swap3A, %swap3A_157] {strides = array<i32>} : memref<256x128xf32, #tpu.memory_space<vmem>>, vector<1x16xf32>,
        %swap3A_159 = vector.shape_cast %swap3A_158 : vector<1x16xf32> to vector<16xf32>
        %swap3A_160 = vector.shape_cast %add3A_156 : vector<16xf32> to vector<1x16xf32>
        tpu.vector_store %arg5[%swap3A, %swap3A_157], %swap3A_160 {strides = array<i32>} : memref<256x128xf32, #tpu.memory_space<vmem>>, vector<1x16xf32>,
        %get3A_161 = arith.index_cast %scan3A_144 : i32 to index
        %get3A_162 = arith.constant 16 : index
        %get3A_163 = tpu.vector_load %arg5[%get3A_161, %get3A_162] {strides = array<i32>} : memref<256x128xf32, #tpu.memory_space<vmem>>, vector<1x16xf32>,
        %get3A_164 = vector.shape_cast %get3A_163 : vector<1x16xf32> to vector<16xf32>
        %add3A_165 = arith.addf %scan3A_146, %get3A_164 : vector<16xf32>
        %swap3A_166 = arith.index_cast %scan3A_144 : i32 to index
        %swap3A_167 = arith.constant 16 : index
        %swap3A_168 = tpu.vector_load %arg5[%swap3A_166, %swap3A_167] {strides = array<i32>} : memref<256x128xf32, #tpu.memory_space<vmem>>, vector<1x16xf32>,
        %swap3A_169 = vector.shape_cast %swap3A_168 : vector<1x16xf32> to vector<16xf32>
        %swap3A_170 = vector.shape_cast %add3A_165 : vector<16xf32> to vector<1x16xf32>
        tpu.vector_store %arg5[%swap3A_166, %swap3A_167], %swap3A_170 {strides = array<i32>} : memref<256x128xf32, #tpu.memory_space<vmem>>, vector<1x16xf32>,
        %get3A_171 = arith.index_cast %scan3A_144 : i32 to index
        %get3A_172 = arith.constant 32 : index
        %get3A_173 = tpu.vector_load %arg5[%get3A_171, %get3A_172] {strides = array<i32>} : memref<256x128xf32, #tpu.memory_space<vmem>>, vector<1x16xf32>,
        %get3A_174 = vector.shape_cast %get3A_173 : vector<1x16xf32> to vector<16xf32>
        %add3A_175 = arith.addf %scan3A_147, %get3A_174 : vector<16xf32>
        %swap3A_176 = arith.index_cast %scan3A_144 : i32 to index
        %swap3A_177 = arith.constant 32 : index
        %swap3A_178 = tpu.vector_load %arg5[%swap3A_176, %swap3A_177] {strides = array<i32>} : memref<256x128xf32, #tpu.memory_space<vmem>>, vector<1x16xf32>,
        %swap3A_179 = vector.shape_cast %swap3A_178 : vector<1x16xf32> to vector<16xf32>
        %swap3A_180 = vector.shape_cast %add3A_175 : vector<16xf32> to vector<1x16xf32>
        tpu.vector_store %arg5[%swap3A_176, %swap3A_177], %swap3A_180 {strides = array<i32>} : memref<256x128xf32, #tpu.memory_space<vmem>>, vector<1x16xf32>,
        %get3A_181 = arith.index_cast %scan3A_144 : i32 to index
        %get3A_182 = arith.constant 48 : index
        %get3A_183 = tpu.vector_load %arg5[%get3A_181, %get3A_182] {strides = array<i32>} : memref<256x128xf32, #tpu.memory_space<vmem>>, vector<1x16xf32>,
        %get3A_184 = vector.shape_cast %get3A_183 : vector<1x16xf32> to vector<16xf32>
        %add3A_185 = arith.addf %scan3A_148, %get3A_184 : vector<16xf32>
        %swap3A_186 = arith.index_cast %scan3A_144 : i32 to index
        %swap3A_187 = arith.constant 48 : index
        %swap3A_188 = tpu.vector_load %arg5[%swap3A_186, %swap3A_187] {strides = array<i32>} : memref<256x128xf32, #tpu.memory_space<vmem>>, vector<1x16xf32>,
        %swap3A_189 = vector.shape_cast %swap3A_188 : vector<1x16xf32> to vector<16xf32>
        %swap3A_190 = vector.shape_cast %add3A_185 : vector<16xf32> to vector<1x16xf32>
        tpu.vector_store %arg5[%swap3A_186, %swap3A_187], %swap3A_190 {strides = array<i32>} : memref<256x128xf32, #tpu.memory_space<vmem>>, vector<1x16xf32>,
        %get3A_191 = arith.index_cast %scan3A_144 : i32 to index
        %get3A_192 = arith.constant 64 : index
        %get3A_193 = tpu.vector_load %arg5[%get3A_191, %get3A_192] {strides = array<i32>} : memref<256x128xf32, #tpu.memory_space<vmem>>, vector<1x16xf32>,
        %get3A_194 = vector.shape_cast %get3A_193 : vector<1x16xf32> to vector<16xf32>
        %add3A_195 = arith.addf %scan3A_149, %get3A_194 : vector<16xf32>
        %swap3A_196 = arith.index_cast %scan3A_144 : i32 to index
        %swap3A_197 = arith.constant 64 : index
        %swap3A_198 = tpu.vector_load %arg5[%swap3A_196, %swap3A_197] {strides = array<i32>} : memref<256x128xf32, #tpu.memory_space<vmem>>, vector<1x16xf32>,
        %swap3A_199 = vector.shape_cast %swap3A_198 : vector<1x16xf32> to vector<16xf32>
        %swap3A_200 = vector.shape_cast %add3A_195 : vector<16xf32> to vector<1x16xf32>
        tpu.vector_store %arg5[%swap3A_196, %swap3A_197], %swap3A_200 {strides = array<i32>} : memref<256x128xf32, #tpu.memory_space<vmem>>, vector<1x16xf32>,
        %get3A_201 = arith.index_cast %scan3A_144 : i32 to index
        %get3A_202 = arith.constant 80 : index
        %get3A_203 = tpu.vector_load %arg5[%get3A_201, %get3A_202] {strides = array<i32>} : memref<256x128xf32, #tpu.memory_space<vmem>>, vector<1x16xf32>,
        %get3A_204 = vector.shape_cast %get3A_203 : vector<1x16xf32> to vector<16xf32>
        %add3A_205 = arith.addf %scan3A_150, %get3A_204 : vector<16xf32>
        %swap3A_206 = arith.index_cast %scan3A_144 : i32 to index
        %swap3A_207 = arith.constant 80 : index
        %swap3A_208 = tpu.vector_load %arg5[%swap3A_206, %swap3A_207] {strides = array<i32>} : memref<256x128xf32, #tpu.memory_space<vmem>>, vector<1x16xf32>,
        %swap3A_209 = vector.shape_cast %swap3A_208 : vector<1x16xf32> to vector<16xf32>
        %swap3A_210 = vector.shape_cast %add3A_205 : vector<16xf32> to vector<1x16xf32>
        tpu.vector_store %arg5[%swap3A_206, %swap3A_207], %swap3A_210 {strides = array<i32>} : memref<256x128xf32, #tpu.memory_space<vmem>>, vector<1x16xf32>,
        %get3A_211 = arith.index_cast %scan3A_144 : i32 to index
        %get3A_212 = arith.constant 96 : index
        %get3A_213 = tpu.vector_load %arg5[%get3A_211, %get3A_212] {strides = array<i32>} : memref<256x128xf32, #tpu.memory_space<vmem>>, vector<1x16xf32>,
        %get3A_214 = vector.shape_cast %get3A_213 : vector<1x16xf32> to vector<16xf32>
        %add3A_215 = arith.addf %scan3A_151, %get3A_214 : vector<16xf32>
        %swap3A_216 = arith.index_cast %scan3A_144 : i32 to index
        %swap3A_217 = arith.constant 96 : index
        %swap3A_218 = tpu.vector_load %arg5[%swap3A_216, %swap3A_217] {strides = array<i32>} : memref<256x128xf32, #tpu.memory_space<vmem>>, vector<1x16xf32>,
        %swap3A_219 = vector.shape_cast %swap3A_218 : vector<1x16xf32> to vector<16xf32>
        %swap3A_220 = vector.shape_cast %add3A_215 : vector<16xf32> to vector<1x16xf32>
        tpu.vector_store %arg5[%swap3A_216, %swap3A_217], %swap3A_220 {strides = array<i32>} : memref<256x128xf32, #tpu.memory_space<vmem>>, vector<1x16xf32>,
        %get3A_221 = arith.index_cast %scan3A_144 : i32 to index
        %get3A_222 = arith.constant 112 : index
        %get3A_223 = tpu.vector_load %arg5[%get3A_221, %get3A_222] {strides = array<i32>} : memref<256x128xf32, #tpu.memory_space<vmem>>, vector<1x16xf32>,
        %get3A_224 = vector.shape_cast %get3A_223 : vector<1x16xf32> to vector<16xf32>
        %add3A_225 = arith.addf %scan3A_152, %get3A_224 : vector<16xf32>
        %swap3A_226 = arith.index_cast %scan3A_144 : i32 to index
        %swap3A_227 = arith.constant 112 : index
        %swap3A_228 = tpu.vector_load %arg5[%swap3A_226, %swap3A_227] {strides = array<i32>} : memref<256x128xf32, #tpu.memory_space<vmem>>, vector<1x16xf32>,
        %swap3A_229 = vector.shape_cast %swap3A_228 : vector<1x16xf32> to vector<16xf32>
        %swap3A_230 = vector.shape_cast %add3A_225 : vector<16xf32> to vector<1x16xf32>
        tpu.vector_store %arg5[%swap3A_226, %swap3A_227], %swap3A_230 {strides = array<i32>} : memref<256x128xf32, #tpu.memory_space<vmem>>, vector<1x16xf32>,
        scf.yield %add3A_156, %add3A_165, %add3A_175, %add3A_185, %add3A_195, %add3A_205, %add3A_215, %add3A_225 : vector<16xf32>, vector<16xf32>, vector<16xf32>, vector<16xf32>, vector<16xf32>, vector<16xf32>, vector<16xf32>, vector<16xf32>
      }
      %scan3A_139 = arith.constant 256 : i32
      %mul3A_140 = arith.constant 256 : i32
      %mul3A_141 = arith.muli %add3A_89, %mul3A_140 : i32
      %dma_start3A_142 = tpu.memref_slice %arg3[%mul3A_141, %mul3A_2] : memref<8192x4096xf32, #tpu.memory_space<hbm>> -> memref<256x128xf32, #tpu.memory_space<hbm>>
      %dma_start3A_143 = tpu.memref_slice %arg3[%mul3A_141, %mul3A_2] : memref<8192x4096xf32, #tpu.memory_space<hbm>> -> memref<256x128xf32, #tpu.memory_space<hbm>>
      tpu.enqueue_dma source(%arg5 : memref<256x128xf32, #tpu.memory_space<vmem>>) target(%dma_start3A_143 : memref<256x128xf32, #tpu.memory_space<hbm>>) target_semaphore(%arg7 : memref<!tpu.dma_semaphore, #tpu.memory_space<semaphore_mem>>)
      scf.yield %scan3A_138#0, %scan3A_138#1, %scan3A_138#2, %scan3A_138#3, %scan3A_138#4, %scan3A_138#5, %scan3A_138#6, %scan3A_138#7 : vector<16xf32>, vector<16xf32>, vector<16xf32>, vector<16xf32>, vector<16xf32>, vector<16xf32>, vector<16xf32>, vector<16xf32>
    }
    %scan3A_22 = arith.constant 16 : i32
    %dma_wait3A = arith.constant 7680 : i32
    %dma_wait3A_23 = tpu.memref_slice %arg3[%dma_wait3A, %mul3A_2] : memref<8192x4096xf32, #tpu.memory_space<hbm>> -> memref<256x128xf32, #tpu.memory_space<hbm>>
    %dma_wait3A_24 = arith.constant 7680 : i32
    %dma_wait3A_25 = tpu.memref_slice %arg3[%dma_wait3A_24, %mul3A_2] : memref<8192x4096xf32, #tpu.memory_space<hbm>> -> memref<256x128xf32, #tpu.memory_space<hbm>>
    tpu.wait_dma2 semaphore(%arg6 : memref<!tpu.dma_semaphore, #tpu.memory_space<semaphore_mem>>) src(%arg4 : memref<256x128xf32, #tpu.memory_space<vmem>>) dst(%dma_wait3A_25 : memref<256x128xf32, #tpu.memory_space<hbm>>)
    %dma_wait3A_26 = arith.constant 7936 : i32
    %dma_wait3A_27 = tpu.memref_slice %arg3[%dma_wait3A_26, %mul3A_2] : memref<8192x4096xf32, #tpu.memory_space<hbm>> -> memref<256x128xf32, #tpu.memory_space<hbm>>
    %dma_wait3A_28 = arith.constant 7936 : i32
    %dma_wait3A_29 = tpu.memref_slice %arg3[%dma_wait3A_28, %mul3A_2] : memref<8192x4096xf32, #tpu.memory_space<hbm>> -> memref<256x128xf32, #tpu.memory_space<hbm>>
    tpu.wait_dma2 semaphore(%arg7 : memref<!tpu.dma_semaphore, #tpu.memory_space<semaphore_mem>>) src(%arg5 : memref<256x128xf32, #tpu.memory_space<vmem>>) dst(%dma_wait3A_29 : memref<256x128xf32, #tpu.memory_space<hbm>>)
    return
  }
}

</mosaic_0001>

<sc_bundles>
// kernel: kernel.3.cloned.1.call-start
scs
__scs_entry_jumppad:
0x0: {  	(pc) =	sbr.rel $0x88, $3  }
0x1: {  	(tag) =	ssettag $0x0;
	lr =	simm.s32 $0x1  }
0x2: {  	[smem:$0x3FA0] =	sst lr;
	_ =	strace $0xD0000000  }
0x3: {  	_ = 	snop  }
0x4: {  	_ = 	snop  }
0x5: {  	_ = 	snop  }
0x6: {  	_ = 	snop  }
0x7: {  	_ = 	snop  }
__scs_overlays_trampoline_lowered:
0x8: {  	[smem:$0x3FAF] =	sst s0  }
0x9: {  	[smem:$0x3FB0] =	sst s1  }
0xa: {  	[smem:$0x3FB1] =	sst s2  }
0xb: {  	[smem:$0x3FB2] =	sst s3  }
0xc: {  	[smem:$0x3FB3] =	sst s4  }
0xd: {  	[smem:$0x3FB4] =	sst s5  }
0xe: {  	[smem:$0x3FB5] =	sst s6  }
0xf: {  	[smem:$0x3FB6] =	sst s7  }
0x10: {  	[smem:$0x3FB7] =	sst s8  }
0x11: {  	[smem:$0x3FB8] =	sst s9;
	s0 =	simm.s32 @!p0 $0x0  }
0x12: {  	s1 =	sld [smem:$0x3F9E];
	s0 =	simm.s32 @p0 $0x1  }
0x13: {  	[smem:$0x3FB9] =	sst s0;
	s0 =	simm.s32 @!p1 $0x0  }
0x14: {  	s2 =	sld [smem:$0x3F9D];
	s0 =	simm.s32 @p1 $0x1  }
0x15: {  	[smem:$0x3FBA] =	sst s0;
	s0 =	simm.s32 @!p2 $0x0  }
0x16: {  	s3 =	sld [smem:$0x3FDB];
	s0 =	simm.s32 @p2 $0x1  }
0x17: {  	s4 =	simm.s32 $0x1BF5;
	[smem:$0x3FBC] =	sst s0  }
0x18: {  	s0 =	sld [smem:$0x3F9F];
	_ =	swait.ge [sflag:s4], $0x0  }
0x19: {  	s7 =	sld [smem:$0x3FA0]  }
0x1a: {  	s8 =	sadd.s32 $0xFFFFE003, lr  }
0x1b: {  	s9 =	sadd.s32 $0xFFFFFEF7, lr;
	s5 =	simm.s32 $0xFFFFFFFF;
	p2 =	slt.u32 s8, $0xFFFFF086  }
0x1c: {  	p1 =	slt.u32 s9, $0xF7A;
	s5 =	simm.s32 @!p2 $0x0  }
0x1d: {  	s5 =	simm.s32 @p1 $0x1;
	p0 =	seq.s32 s7, s2  }
0x1e: {  	s7 =	smul.u32 @!p0 $0xF7A, s2;
	p2 =	seq.s32 @!p0 s5, $0x0  }
0x1f: {  	s9 =	smul.u32 $0xF7A, s1;
	s8 =	simm.s32 @!p0 $0x1BF5;
	p2 =	por !p2, p0  }
0x20: {  	[sflag:s8] =	ssyncset.s32 @!p0 $0xFFFFF086;
	s6 =	sadd.s32 @!p0 s3, s7;
	s7 =	simm.s32 @!p0 $0x108  }
0x21: {  	s3 =	sadd.s32 s3, s9;
	s6 =	sadd.s32 @!p0 $0x88, s6;
	s7 =	simm.s32 @p2 $0x1082  }
0x22: {  	[simem:s7], [sflag:s8] =	dma.local @!p0 [hbm:s6], $0xF7A  }
0x23: {  	s9 =	sor.u32 $0xD0000000, s2;
	s6 =	simm.s32 $0x108;
	_ =	swait.ge @!p0 [sflag:s8], $0x0  }
0x24: {  	s3 =	sadd.s32 $0x88, s3;
	s6 =	simm.s32 @!p1 $0x1082;
	[sflag:s4] =	ssyncset.s32 $0xFFFFF086  }
0x25: {  	[simem:s6], [sflag:s4] =	dma.local [hbm:s3], $0xF7A  }
0x26: {  	[smem:$0x3FA0] =	sst s1;
	(tag) =	ssettag s2;
	_ =	strace s9  }
0x27: {  	s1 =	sld [smem:$0x3FB0]  }
0x28: {  	s2 =	sld [smem:$0x3FB1]  }
0x29: {  	s4 =	sld [smem:$0x3FB3]  }
0x2a: {  	p0 =	seq.s32 s5, $0x0;
	s5 =	sld [smem:$0x3FB4]  }
0x2b: {  	s6 =	sld [smem:$0x3FB5]  }
0x2c: {  	s7 =	sld [smem:$0x3FB6]  }
0x2d: {  	s3 =	simm.s32 $0x108;
	s8 =	sld [smem:$0x3FB7]  }
0x2e: {  	s3 =	simm.s32 @!p0 $0x1082;
	s9 =	sld [smem:$0x3FB8]  }
0x2f: {  	lr =	sadd.s32 s0, s3;
	s0 =	sld [smem:$0x3FAF]  }
0x30: {  	s3 =	sld [smem:$0x3FB2]  }
0x31: {  	[smem:$0x3FBB] =	sst s10  }
0x32: {  	s10 =	sld [smem:$0x3FB9];
	_ =	sdelay $0x3  }
0x33: {  	p0 =	seq.s32 s10, $0x1;
	s10 =	sld [smem:$0x3FBB];
	_ =	sdelay $0x3  }
0x34: {  	[smem:$0x3FBB] =	sst s10  }
0x35: {  	s10 =	sld [smem:$0x3FBA];
	_ =	sdelay $0x3  }
0x36: {  	p1 =	seq.s32 s10, $0x1;
	s10 =	sld [smem:$0x3FBB];
	_ =	sdelay $0x3  }
0x37: {  	[smem:$0x3FBB] =	sst s10  }
0x38: {  	s10 =	sld [smem:$0x3FBC]  }
0x39: {  	_ = 	snop;
	(pc) =	sbr.ind lr, $3  }
0x3a: {  	_ = 	snop  }
0x3b: {  	_ = 	snop  }
0x3c: {  	p2 =	seq.s32 s10, $0x1;
	s10 =	sld [smem:$0x3FBB]  }
0x3d: {  	_ =	shalt  }
0x3e: {  	_ =	shalt  }
0x3f: {  	_ =	shalt  }
0x40: {  	_ =	shalt  }
0x41: {  	_ =	shalt  }
0x42: {  	_ =	shalt  }
0x43: {  	_ =	shalt  }
0x44: {  	_ =	shalt  }
0x45: {  	_ =	shalt  }
0x46: {  	_ =	shalt  }
0x47: {  	_ =	shalt  }
0x48: {  	_ =	shalt  }
0x49: {  	_ =	shalt  }
0x4a: {  	_ =	shalt  }
0x4b: {  	_ =	shalt  }
0x4c: {  	_ =	shalt  }
0x4d: {  	_ =	shalt  }
0x4e: {  	_ =	shalt  }
0x4f: {  	_ =	shalt  }
0x50: {  	_ =	shalt  }
0x51: {  	_ =	shalt  }
0x52: {  	_ =	shalt  }
0x53: {  	_ =	shalt  }
0x54: {  	_ =	shalt  }
0x55: {  	_ =	shalt  }
0x56: {  	_ =	shalt  }
0x57: {  	_ =	shalt  }
0x58: {  	_ =	shalt  }
0x59: {  	_ =	shalt  }
0x5a: {  	_ =	shalt  }
0x5b: {  	_ =	shalt  }
0x5c: {  	_ =	shalt  }
0x5d: {  	_ =	shalt  }
0x5e: {  	_ =	shalt  }
0x5f: {  	_ =	shalt  }
0x60: {  	_ =	shalt  }
0x61: {  	_ =	shalt  }
0x62: {  	_ =	shalt  }
0x63: {  	_ =	shalt  }
0x64: {  	_ =	shalt  }
0x65: {  	_ =	shalt  }
0x66: {  	_ =	shalt  }
0x67: {  	_ =	shalt  }
0x68: {  	_ =	shalt  }
0x69: {  	_ =	shalt  }
0x6a: {  	_ =	shalt  }
0x6b: {  	_ =	shalt  }
0x6c: {  	_ =	shalt  }
0x6d: {  	_ =	shalt  }
0x6e: {  	_ =	shalt  }
0x6f: {  	_ =	shalt  }
0x70: {  	_ =	shalt  }
0x71: {  	_ =	shalt  }
0x72: {  	_ =	shalt  }
0x73: {  	_ =	shalt  }
0x74: {  	_ =	shalt  }
0x75: {  	_ =	shalt  }
0x76: {  	_ =	shalt  }
0x77: {  	_ =	shalt  }
0x78: {  	_ =	shalt  }
0x79: {  	_ =	shalt  }
0x7a: {  	_ =	shalt  }
0x7b: {  	_ =	shalt  }
0x7c: {  	_ =	shalt  }
0x7d: {  	_ =	shalt  }
0x7e: {  	_ =	shalt  }
0x7f: {  	_ =	shalt  }
0x80: {  	_ =	shalt  }
0x81: {  	_ =	shalt  }
0x82: {  	_ =	shalt  }
0x83: {  	_ =	shalt  }
0x84: {  	_ =	shalt  }
0x85: {  	_ =	shalt  }
0x86: {  	_ =	shalt  }
0x87: {  	_ =	shalt  }
.Lfunc_end0:
.L_simem_size_0:
called_computation_lowered:
.L_overlay_start_0:
0x88: {  	s2 =	sld [smem:$0x3FD9]  }
0x89: {  	s3 =	sld [smem:$0x3FFE];
	_ =	sdelay $0x1  }
0x8a: {  	s1 =	srdreg.scid  }
0x8b: {  	s0 =	sand.u32 $0x1, s1  }
0x8c: {  	s18 =	sshll.u32 s0, $0xA;
	s2 =	sadd.s32 s3, s2  }
0x8d: {  	s2 =	sadd.s32 s2, s18  }
0x8e: {  	[smem:$0x3FC7] =	sst s2  }
0x8f: {  	_ = 	snop  }
0x90: {  	s2 =	sld [smem:$0x3FC9]  }
0x91: {  	s19 =	sld [smem:$0x3FD0];
	(tm) =	ssettm $0x1  }
0x92: {  	s4 =	sld [smem:$0x3FFB];
	_ =	sdelay $0x3  }
0x93: {  	_ =	strace s4  }
0x94: {  	s4 =	sld [smem:$0x3FFC];
	_ =	sdelay $0x3  }
0x95: {  	_ =	strace s4  }
0x96: {  	s4 =	sld [smem:$0x3FFD];
	_ =	sdelay $0x3  }
0x97: {  	_ =	strace s4  }
0x98: {  	_ =	strace $0x8FFFFFFF  }
0x99: {  	s20 =	sld [smem:$0x3FDB];
	_ =	sdelay $0x1  }
0x9a: {  	s5 =	simm.s32 $_scs_section_size  }
0x9b: {  	s6 =	simm.s32 $_size__tile_overlayer_lowered;
	s7 =	simm.s32 $_tile_overlayer_lowered  }
0x9c: {  	s23 =	simm.s32 $0x1BFF;
	s22 =	sshll.u32 s7, $0x1;
	s4 =	sadd.s32 s5, s20  }
0x9d: {  	s8 =	simm.s32 $0x0;
	s21 =	sshll.u32 s6, $0x1;
	s6 =	sadd.s32 s22, s4  }
0x9e: {  	[timem:s8], [sflag:s23] =	dma.local [hbm:s6], s21  }
0x9f: {  	_ =	swait.ge [sflag:s23], s21  }
0xa0: {  	s5 =	ssub.s32 $0x0, s21;
	[sflag:s23] =	ssyncset.done $0x0  }
0xa1: {  	[sflag:s23] =	ssyncadd.s32 s5;
	_ =	sdelay $0x1  }
0xa2: {  	s24 =	simm.s32 $0x1B8B  }
0xa3: {  	_ =	swait.ge [sflag:s24], $0x1  }
0xa4: {  	[sflag:s24] =	ssyncset.done $0x0  }
0xa5: {  	s25 =	simm.s32 $0x1B8E;
	[sflag:s24] =	ssyncadd.s32 $0xFFFFFFFF  }
0xa6: {  	s26 =	simm.s32 $execute0_lowered;
	[smem:$0x3FD2] =	sst s25  }
0xa7: {  	s5 =	sshll.u32 s26, $0x1;
	_ =	strace $0x80000046;
	[dreg:$0x1] =	wrdreg $0xFFFFFFFF  }
0xa8: {  	s28 =	simm.s32 $_size_execute0_lowered;
	s4 =	sadd.s32 s4, s5;
	[dreg:$0x0] =	wrdreg $0x0  }
0xa9: {  	s5 =	sshll.u32 s28, $0x1;
	[dreg:$0x2] =	wrdreg s4  }
0xaa: {  	[dreg:$0x3] =	wrdreg s5  }
0xab: {  	[dreg:$0x4] =	wrdreg $0xC0  }
0xac: {  	_ =	task [dreg:s8], $0x5FFFF  }
0xad: {  	[dreg:$0x1] =	wrdreg $0xFFFFFFFF  }
0xae: {  	[dreg:$0x0] =	wrdreg $0x60  }
0xaf: {  	[dreg:$0x2] =	wrdreg s2  }
0xb0: {  	[dreg:$0x3] =	wrdreg s19  }
0xb1: {  	[dreg:$0x4] =	wrdreg $0x9  }
0xb2: {  	_ =	task.clear_ibuf [dreg:s8], $0x5FFFF;
	_ =	strace $0x90000046  }
0xb3: {  	s29 =	simm.s32 $0x9;
	_ =	strace $0x80000048  }
0xb4: {  	_ =	swait.ge [sflag:s29], $0x1  }
0xb5: {  	[sflag:s29] =	ssyncadd.s32 $0xFFFFFFFF  }
0xb6: {  	_ =	strace $0x90000048  }
0xb7: {  	_ =	sfence  }
0xb8: {  	s30 =	sld [smem:$0x0];
	_ =	sdelay $0x2  }
0xb9: {  	s31 =	sshll.u32 s1, $0xD;
	s1 =	sshrl.u32 s1, $0x2  }
0xba: {  	s3 =	sand.u32 $0x4000, s31;
	s1 =	sadd.s32 s1, s30  }
0xbb: {  	s0 =	sor.u32 s3, s0;
	s1 =	sshll.u32 s1, $0x11  }
0xbc: {  	s0 =	sor.u32 s1, s0  }
0xbd: {  	s0 =	sadd.s32 $0x8F2B, s0  }
0xbe: {  	[sflag:s0] =	ssyncadd.remote.s32 $0x1  }
0xbf: {  	_ =	sfence.sel $0xFFFF  }
0xc0: {  	[dreg:$0x0] =	wrdreg $0xFFFFFFFF;
	(pc) =	sbr.abs _section_cstart, $3  }
0xc1: {  	[dreg:$0x1] =	wrdreg $0xFFFFFFFF  }
0xc2: {  	_ =	task.clear_ibuf [dreg:s8], $0x2FFFF;
	_ =	strace $0x9FFFFFFF  }
0xc3: {  	(tm) =	ssettm $0x7FFFFFFF  }
tec
execute0_lowered:
.L_overlay_start_1:
0x0: {  	(tag) =	ssettag $0x1  }
0x1: {  	s1 =	rddreg [dreg:$0x0]  }
0x2: {  	s0 =	srdreg.scid;
	s2 =	rddreg [dreg:$0x1];
	s4 =	simm.s32 $0x0  }
0x3: {  	s3 =	stileid.u32;
	s8 =	simm.s32 $0x8000;
	s9 =	simm.s32 $0x3  }
0x4: {  	s10 =	simm.s32 $0x1;
	s11 =	simm.s32 $0x2;
	s5 =	sand.u32 $0x1, s0  }
0x5: {  	s12 =	simm.s32 $0x0;
	s0 =	rddreg [dreg:$0x2];
	s6 =	ssub.s32 $0x2, s5  }
0x6: {  	[smem:$0x7FF] =	sst s4;
	s31 =	sshll.u32 s3, $0x8;
	s7 =	sshrl.u32 s6, $0x1  }
0x7: {  	s5 =	sshll.u32 s5, $0x7;
	_ =	strace $0x80000047;
	s6 =	ssub.s32 s6, s7  }
0x8: {  	s5 =	sor.u32 s5, s31;
	s7 =	simm.s32 $0x400;
	s6 =	smax.u32 s6, $0x1  }
.LBB2_1:
0x9: {  	v2 =	vimm.f32 $0.0e+00;
	v6 =	vimm.f32 $0.0e+00  }
0xa: {  	v9 =	vimm.f32 $0.0e+00;
	v5 =	vimm.f32 $0.0e+00;
	v4 =	vimm.f32 $0.0e+00  }
0xb: {  	v3 =	vimm.f32 $0.0e+00;
	v0 =	vimm.f32 $0.0e+00;
	v1 =	vimm.f32 $0.0e+00;
	s13 =	simm.s32 $0x0  }
.LBB2_2:
0xc: {  	p0 =	seq.s32 s13, $0x0  }
0xd: {  	s15 =	simm.s32 @!p0 $0x1  }
0xe: {  	s14 =	sshll.u32 s13, $0x12;
	_ =	swait.ge @!p0 [sflag:s15], $0x8000  }
0xf: {  	s14 =	sor.u32 s5, s14;
	[sflag:s15] =	ssyncset.done @!p0 $0x0  }
0x10: {  	s16 =	simm.s32 $0x0;
	s30 =	sadd.s32 s1, s14;
	[sflag:s15] =	ssyncadd.s32 @!p0 $0xFFFF8000  }
0x11: {  	[tilespmem:s16], [sflag:$0x3] =	stream.strided.gather [hbm4b:s30+s7], $0x8000, s8, s7, $0x38;
	[tilespmem:$0x10000] =	vst v63  }
0x12: {  	_ =	swait.ge [sflag:s9], $0x8000  }
0x13: {  	[sflag:s9] =	ssyncset.done $0x0  }
0x14: {  	s15 =	simm.s32 $0x0;
	[sflag:s9] =	ssyncadd.s32 $0xFFFF8000  }
0x15: {  	s31 =	sand.u32 $0x7, s13;
	v7 =	vld [tilespmem:s15+$0x0]  }
0x16: {  	p1 =	seq.s32 s31, $0x0;
	s16 =	simm.f32 $0.0e+00;
	v13 =	vld [tilespmem:s15+$0x10]  }
0x17: {  	s16 =	simm.s32 @!p1 $0x3F800000;
	v11 =	vld [tilespmem:s15+$0x20]  }
0x18: {  	v8 =	vmul.f32 s16, v1;
	v14 =	vmul.f32 s16, v0;
	v10 =	vld [tilespmem:s15+$0x30]  }
0x19: {  	v3 =	vmul.f32 s16, v3;
	v4 =	vmul.f32 s16, v4;
	v12 =	vld [tilespmem:s15+$0x40]  }
0x1a: {  	v5 =	vmul.f32 s16, v5;
	v1 =	vmul.f32 s16, v9;
	v9 =	vld [tilespmem:s15+$0x50];
	v0 =	vadd.f32 v7, v8  }
0x1b: {  	v7 =	vmul.f32 s16, v6;
	v8 =	vmul.f32 s16, v2;
	v2 =	vadd.f32 v13, v14;
	v13 =	vld [tilespmem:s15+$0x60];
	s16 =	simm.s32 $0x200  }
.LBB2_3:
0x1c: {  	s17 =	sshra.s32 s16, $0x2;
	p1 =	sne.s32 s16, $0x1FE00;
	[tilespmem:s15+$0x0] =	vst v0;
	v3 =	vadd.f32 v11, v3;
	v6 =	vld [tilespmem:s15+$0x70]  }
0x1d: {  	v14 =	vld [tilespmem:s17+$0x0];
	[tilespmem:s15+$0x10] =	vst v2;
	v4 =	vadd.f32 v10, v4  }
0x1e: {  	v15 =	vld [tilespmem:s17+$0x10];
	[tilespmem:s15+$0x20] =	vst v3;
	v5 =	vadd.f32 v12, v5  }
.Ltmp0:
0x1f: {  	v11 =	vld [tilespmem:s17+$0x20];
	[tilespmem:s15+$0x30] =	vst v4;
	v1 =	vadd.f32 v9, v1;
	(pc) =	sbr.rel @p1 .LBB2_3-.Ltmp0, $4  }
0x20: {  	v10 =	vld [tilespmem:s17+$0x30];
	[tilespmem:s15+$0x40] =	vst v5;
	v7 =	vadd.f32 v13, v7  }
0x21: {  	v12 =	vld [tilespmem:s17+$0x40];
	[tilespmem:s15+$0x50] =	vst v1;
	v8 =	vadd.f32 v6, v8  }
0x22: {  	v0 =	vadd.f32 v14, v0;
	v9 =	vld [tilespmem:s17+$0x50];
	[tilespmem:s15+$0x60] =	vst v7  }
0x23: {  	s16 =	sadd.s32 $0x200, s16;
	v2 =	vadd.f32 v15, v2;
	v13 =	vld [tilespmem:s17+$0x60];
	[tilespmem:s15+$0x70] =	vst v8;
	s15 =	smov.u32 s17  }
0x24: {  	[tilespmem:s15+$0x0] =	vst v0;
	v3 =	vadd.f32 v11, v3;
	v11 =	vld [tilespmem:s15+$0x70]  }
0x25: {  	[tilespmem:s15+$0x10] =	vst v2;
	v4 =	vadd.f32 v10, v4  }
0x26: {  	[tilespmem:s15+$0x20] =	vst v3;
	v5 =	vadd.f32 v12, v5  }
0x27: {  	[tilespmem:s15+$0x30] =	vst v4;
	v6 =	vadd.f32 v9, v1  }
0x28: {  	[tilespmem:s15+$0x40] =	vst v5;
	v7 =	vadd.f32 v13, v7  }
0x29: {  	[tilespmem:s15+$0x50] =	vst v6;
	v8 =	vadd.f32 v11, v8  }
0x2a: {  	[tilespmem:s15+$0x60] =	vst v7  }
0x2b: {  	s30 =	sadd.s32 s2, s14;
	[tilespmem:s15+$0x70] =	vst v8;
	s15 =	simm.s32 @!p0 $0x2  }
0x2c: {  	[hbm4b:s30+s7] =	stream.strided.scatter [tilespmem:s4], [sflag:$0x1], $0x8000, s8, s7, $0x38;
	[tilespmem:$0x10000] =	vst v63  }
0x2d: {  	_ =	swait.ge @!p0 [sflag:s15], $0x8000  }
0x2e: {  	s14 =	sor.u32 $0x20000, s14;
	[sflag:s15] =	ssyncset.done @!p0 $0x0  }
0x2f: {  	s31 =	sadd.s32 s1, s14;
	[sflag:s15] =	ssyncadd.s32 @!p0 $0xFFFF8000  }
0x30: {  	[tilespmem:s8], [sflag:$0x3] =	stream.strided.gather [hbm4b:s31+s7], $0x8000, s8, s7, $0x38;
	[tilespmem:$0x10000] =	vst v63  }
0x31: {  	_ =	swait.ge [sflag:s9], $0x8000  }
0x32: {  	[sflag:s9] =	ssyncset.done $0x0  }
0x33: {  	s15 =	simm.s32 $0x0;
	[sflag:s9] =	ssyncadd.s32 $0xFFFF8000  }
0x34: {  	v1 =	vld [tilespmem:s15+$0x8000]  }
0x35: {  	v13 =	vld [tilespmem:s15+$0x8010]  }
0x36: {  	v12 =	vld [tilespmem:s15+$0x8020]  }
0x37: {  	v11 =	vld [tilespmem:s15+$0x8030]  }
0x38: {  	v9 =	vld [tilespmem:s15+$0x8040]  }
0x39: {  	v10 =	vld [tilespmem:s15+$0x8050];
	v1 =	vadd.f32 v1, v0  }
0x3a: {  	s16 =	simm.s32 $0x200;
	v0 =	vadd.f32 v13, v2;
	v2 =	vld [tilespmem:s15+$0x8060]  }
.LBB2_5:
0x3b: {  	s17 =	sshra.s32 s16, $0x2;
	p0 =	sne.s32 s16, $0x1FE00;
	[tilespmem:s15+$0x8000] =	vst v1;
	v3 =	vadd.f32 v12, v3;
	v13 =	vld [tilespmem:s15+$0x8070]  }
0x3c: {  	v14 =	vld [tilespmem:s17+$0x8000];
	[tilespmem:s15+$0x8010] =	vst v0;
	v4 =	vadd.f32 v11, v4  }
0x3d: {  	v15 =	vld [tilespmem:s17+$0x8010];
	[tilespmem:s15+$0x8020] =	vst v3;
	v5 =	vadd.f32 v9, v5  }
.Ltmp1:
0x3e: {  	v12 =	vld [tilespmem:s17+$0x8020];
	[tilespmem:s15+$0x8030] =	vst v4;
	v6 =	vadd.f32 v10, v6;
	(pc) =	sbr.rel @p0 .LBB2_5-.Ltmp1, $4  }
0x3f: {  	v11 =	vld [tilespmem:s17+$0x8030];
	[tilespmem:s15+$0x8040] =	vst v5;
	v7 =	vadd.f32 v2, v7  }
0x40: {  	v9 =	vld [tilespmem:s17+$0x8040];
	[tilespmem:s15+$0x8050] =	vst v6;
	v8 =	vadd.f32 v13, v8  }
0x41: {  	v1 =	vadd.f32 v14, v1;
	v10 =	vld [tilespmem:s17+$0x8050];
	[tilespmem:s15+$0x8060] =	vst v7  }
0x42: {  	s16 =	sadd.s32 $0x200, s16;
	v0 =	vadd.f32 v15, v0;
	v2 =	vld [tilespmem:s17+$0x8060];
	[tilespmem:s15+$0x8070] =	vst v8;
	s15 =	smov.u32 s17  }
0x43: {  	[tilespmem:s15+$0x8000] =	vst v1;
	v3 =	vadd.f32 v12, v3;
	v63 =	vld [tilespmem:s15+$0x8070]  }
0x44: {  	[tilespmem:s15+$0x8010] =	vst v0;
	v4 =	vadd.f32 v11, v4  }
0x45: {  	s13 =	sadd.s32 $0x1, s13;
	[tilespmem:s15+$0x8020] =	vst v3;
	v5 =	vadd.f32 v9, v5  }
0x46: {  	p0 =	sne.s32 s13, $0x10;
	[tilespmem:s15+$0x8030] =	vst v4;
	v9 =	vadd.f32 v10, v6  }
.Ltmp2:
0x47: {  	[tilespmem:s15+$0x8040] =	vst v5;
	v6 =	vadd.f32 v2, v7;
	(pc) =	sbr.rel @p0 .LBB2_2-.Ltmp2, $4  }
0x48: {  	[tilespmem:s15+$0x8050] =	vst v9;
	v2 =	vadd.f32 v63, v8  }
0x49: {  	[tilespmem:s15+$0x8060] =	vst v6  }
0x4a: {  	s14 =	sadd.s32 s2, s14;
	[tilespmem:s15+$0x8070] =	vst v2  }
0x4b: {  	[hbm4b:s14+s7] =	stream.strided.scatter [tilespmem:s8], [sflag:$0x2], $0x8000, s8, s7, $0x38;
	[tilespmem:$0x10000] =	vst v63  }
0x4c: {  	s12 =	sadd.s32 $0x1, s12  }
0x4d: {  	_ =	swait.ge [sflag:s10], $0x8000;
	p0 =	sne.s32 s12, s6  }
.Ltmp3:
0x4e: {  	[sflag:s10] =	ssyncset.done $0x0;
	(pc) =	sbr.rel @p0 .LBB2_1-.Ltmp3, $4  }
0x4f: {  	[sflag:s10] =	ssyncadd.s32 $0xFFFF8000  }
0x50: {  	_ =	swait.ge [sflag:s11], $0x8000  }
0x51: {  	[sflag:s11] =	ssyncset.done $0x0  }
0x52: {  	[sflag:s11] =	ssyncadd.s32 $0xFFFF8000  }
0x53: {  	_ =	sfence.sel $0x180000  }
0x54: {  	[bflag:$0x0] =	sbarrier.arrive $0xFFFF  }
0x55: {  	p0 =	sne.s32 s3, $0x0;
	_ =	strace $0x90000047  }
0x56: {  	s0 =	sadd.s32 @!p0 $0x100000, s0;
	[bflag:$0x2] =	sbarrier.arrive $0xFFFF  }
0x57: {  	[sflag:s0] =	ssyncadd.tile.s32 @!p0 $0x1;
	_ =	shalt  }
.Lfunc_end2:
_tile_overlayer_lowered:
.L_overlay_start_2:
0x58: {  	(tag) =	ssettag $0x2  }
0x59: {  	s0 =	rddreg [dreg:$0x0];
	s2 =	stileid.u32  }
0x5a: {  	s1 =	rddreg [dreg:$0x1];
	p0 =	sne.s32 s2, $0x0  }
0x5b: {  	s3 =	rddreg [dreg:$0x2];
	[bflag:$0x3] =	sbarrier.arrive $0xFFFF;
	s2 =	simm.s32 @!p0 $0x1C03  }
0x5c: {  	[timem:s3], [sflag:s2] =	dma.local @!p0 [hbm:s0], s1  }
0x5d: {  	s0 =	simm.s32 @!p0 $0x3  }
0x5e: {  	_ =	swait.ge @!p0 [sflag:s0], s1  }
0x5f: {  	s1 =	ssub.s32 @!p0 $0x0, s1;
	[sflag:s0] =	ssyncset.done @!p0 $0x0  }
0x60: {  	[sflag:s0] =	ssyncadd.s32 @!p0 s1  }
0x61: {  	[bflag:$0x3] =	sbarrier.arrive $0xFFFF  }
0x62: {  	_ =	shalt  }

</sc_bundles>
